<compile_context>
chip_gen: v7x
topology: tpu7x:2x2x1
jax: 0.10.2.dev20260603
libtpu: 0.0.44.dev20260713+nightly
codegen_flags: <defaults>
</compile_context>

<pallas_src>
import functools

import jax
import jax.numpy as jnp
from jax import lax
from jax.experimental import pallas as pl
from jax.experimental.pallas import tpu as pltpu
from jax.experimental.pallas import tpu_sc as plsc

_S0, _S1, _D = 64, 64, 3
_N = _S0 * _S1


def _sqrt16(s):
    i = lax.bitcast_convert_type(s, jnp.int32)
    i = 0x5F3759DF - lax.shift_right_logical(i, 1)
    r = lax.bitcast_convert_type(i, jnp.float32)
    r = r * (1.5 - 0.5 * s * r * r)
    r = r * (1.5 - 0.5 * s * r * r)
    return s * r


def kernel(x, grid):
    b = x.shape[0]
    info = plsc.get_sparse_core_info()
    nw = info.num_cores * info.num_subcores
    bw = b // nw

    g = jnp.transpose(grid.reshape(_N, _D), (1, 0))
    xf = x.reshape(b * _D)

    mesh = plsc.VectorSubcoreMesh(core_axis_name="c", subcore_axis_name="s")

    @functools.partial(
        pl.kernel,
        mesh=mesh,
        out_type=jax.ShapeDtypeStruct((b, _N), jnp.float32),
        scratch_types=[
            pltpu.VMEM((_D, _N), jnp.float32),
            pltpu.VMEM((bw * _D + 16,), jnp.float32),
            pltpu.VMEM((2, _N), jnp.float32),
            pltpu.SemaphoreType.DMA,
            pltpu.SemaphoreType.DMA,
        ],
    )
    def sck(x_hbm, g_hbm, out_hbm, g_v, x_v, buf_v, sem0, sem1):
        wid = lax.axis_index("s") * info.num_cores + lax.axis_index("c")
        base = wid * bw
        pltpu.sync_copy(g_hbm, g_v)
        pltpu.sync_copy(
            x_hbm.at[pl.ds(base * _D, bw * _D)], x_v.at[pl.ds(0, bw * _D)]
        )

        def row(t, slot):
            v = x_v[pl.ds(t * _D, 16)]
            x0 = jnp.full((16,), v[0], jnp.float32)
            x1 = jnp.full((16,), v[1], jnp.float32)
            x2 = jnp.full((16,), v[2], jnp.float32)

            def step(j, carry):
                o = j * 16
                d0 = g_v[0, pl.ds(o, 16)] - x0
                d1 = g_v[1, pl.ds(o, 16)] - x1
                d2 = g_v[2, pl.ds(o, 16)] - x2
                s = d0 * d0 + d1 * d1 + d2 * d2
                buf_v[slot, pl.ds(o, 16)] = _sqrt16(s)
                return carry

            lax.fori_loop(0, _N // 16, step, 0, unroll=4)

        def body(t, carry):
            row(t, 0)
            pltpu.sync_copy(buf_v.at[0], out_hbm.at[base + t])
            return carry

        lax.fori_loop(0, bw, body, 0)

    out = sck(xf, g)
    return out.reshape(b, _S0, _S1)

# --- scband reference (transcript-rebuilt; emitter-appended) ---
"""Pipeline reference for scband-ani-som-60593398612295 (READ-ONLY COPY).

The authoritative reference and input builder live on the scoring server;
editing this copy changes nothing except your own understanding.
"""

import jax, jax.numpy as jnp
import numpy as np

S0, S1, D = 64, 64, 3
B = 8192


def _build_grid(key):
    # Faithful to AniSOM.__init__: base grid of (i/s0, j/s1, 1) plus 0.02*randn
    i_vals = (1.0 / S0) * jnp.broadcast_to(jnp.arange(S0, dtype=jnp.float32).reshape(-1, 1), (S0, S1))
    j_vals = (1.0 / S1) * jnp.broadcast_to(jnp.arange(S1, dtype=jnp.float32).reshape(1, -1), (S0, S1))
    ones = jnp.ones((S0, S1, 1), dtype=jnp.float32)
    base = jnp.concatenate([i_vals[..., None], j_vals[..., None], ones], axis=-1)  # (S0, S1, 3)
    noise = 0.02 * jax.random.normal(key, (S0, S1, D), dtype=jnp.float32)
    return base + noise


def setup_inputs(seed: int = 0) -> dict:
    key = jax.random.key(seed)
    k1, k2 = jax.random.split(key)
    x = jax.random.normal(k1, (B, D), dtype=jnp.float32)
    grid = _build_grid(k2)
    return {"x": x, "grid": grid}


def reference(x, grid):
    # AniSOM.forward(x, squeeze=True)
    X = x.reshape(-1, 1, 1, D)
    d = jnp.sum((grid - X) ** 2, axis=-1) ** 0.5  # (B, S0, S1)
    d = jnp.squeeze(d)
    return d

if __name__ == "__main__":
    import jax
    _d = setup_inputs()
    print(jax.jit(kernel)(*tuple(_d.values())))

</pallas_src>

<mosaic_0001>
#map = affine_map<(d0, d1) -> (0)>
#map1 = affine_map<(d0, d1) -> (0, 0)>
module attributes {stable_mosaic.version = 14 : i64} {
  func.func @sck(%arg0: i32, %arg1: i32, %arg2: memref<24576xf32, #tpu.memory_space<hbm>>, %arg3: memref<3x4096xf32, #tpu.memory_space<hbm>>, %arg4: memref<8192x4096xf32, #tpu.memory_space<hbm>>, %arg5: memref<3x4096xf32, #tpu.memory_space<vmem>>, %arg6: memref<784xf32, #tpu.memory_space<vmem>>, %arg7: memref<2x4096xf32, #tpu.memory_space<vmem>>, %arg8: memref<!tpu.dma_semaphore, #tpu.memory_space<semaphore_mem>>, %arg9: memref<!tpu.dma_semaphore, #tpu.memory_space<semaphore_mem>>) attributes {dimension_semantics = [#tpu.dimension_semantics<core_parallel>, #tpu.dimension_semantics<subcore_parallel>], iteration_bounds = array<i64: 2, 16>, scalar_prefetch = 0 : i64, scratch_operands = 5 : i64, tpu.core_type = #tpu.core_type<sc_vector_subcore>, window_params = [{transform_indices = #map}, {transform_indices = #map1}, {transform_indices = #map1}]} {
    %mul3A = arith.constant 2 : i32
    %mul3A_0 = arith.muli %arg1, %mul3A : i32
    %add3A = arith.addi %mul3A_0, %arg0 : i32
    %mul3A_1 = arith.constant 256 : i32
    %mul3A_2 = arith.muli %add3A, %mul3A_1 : i32
    "tpu.region"() ({
      %run_scoped3A = tpu.sem_alloc : memref<!tpu.dma_semaphore, #tpu.memory_space<semaphore_mem>>
      tpu.enqueue_dma source(%arg3 : memref<3x4096xf32, #tpu.memory_space<hbm>>) target(%arg5 : memref<3x4096xf32, #tpu.memory_space<vmem>>) target_semaphore(%run_scoped3A : memref<!tpu.dma_semaphore, #tpu.memory_space<semaphore_mem>>)
      tpu.wait_dma2 semaphore(%run_scoped3A : memref<!tpu.dma_semaphore, #tpu.memory_space<semaphore_mem>>) src(%arg3 : memref<3x4096xf32, #tpu.memory_space<hbm>>) dst(%arg5 : memref<3x4096xf32, #tpu.memory_space<vmem>>)
      tpu.yield
    }) : () -> ()
    %mul3A_3 = arith.constant 3 : i32
    %mul3A_4 = arith.muli %mul3A_2, %mul3A_3 : i32
    "tpu.region"() ({
      %run_scoped3A = tpu.sem_alloc : memref<!tpu.dma_semaphore, #tpu.memory_space<semaphore_mem>>
      %dma_start3A = arith.constant 0 : i32
      %dma_start3A_10 = tpu.memref_slice %arg6[%dma_start3A] : memref<784xf32, #tpu.memory_space<vmem>> -> memref<768xf32, #tpu.memory_space<vmem>>
      %dma_start3A_11 = tpu.memref_slice %arg2[%mul3A_4] : memref<24576xf32, #tpu.memory_space<hbm>> -> memref<768xf32, #tpu.memory_space<hbm>>
      %dma_start3A_12 = arith.constant 0 : i32
      %dma_start3A_13 = tpu.memref_slice %arg6[%dma_start3A_12] : memref<784xf32, #tpu.memory_space<vmem>> -> memref<768xf32, #tpu.memory_space<vmem>>
      %dma_start3A_14 = tpu.memref_slice %arg2[%mul3A_4] : memref<24576xf32, #tpu.memory_space<hbm>> -> memref<768xf32, #tpu.memory_space<hbm>>
      tpu.enqueue_dma source(%dma_start3A_14 : memref<768xf32, #tpu.memory_space<hbm>>) target(%dma_start3A_13 : memref<768xf32, #tpu.memory_space<vmem>>) target_semaphore(%run_scoped3A : memref<!tpu.dma_semaphore, #tpu.memory_space<semaphore_mem>>)
      %dma_wait3A = arith.constant 0 : i32
      %dma_wait3A_15 = tpu.memref_slice %arg6[%dma_wait3A] : memref<784xf32, #tpu.memory_space<vmem>> -> memref<768xf32, #tpu.memory_space<vmem>>
      %dma_wait3A_16 = tpu.memref_slice %arg2[%mul3A_4] : memref<24576xf32, #tpu.memory_space<hbm>> -> memref<768xf32, #tpu.memory_space<hbm>>
      %dma_wait3A_17 = arith.constant 0 : i32
      %dma_wait3A_18 = tpu.memref_slice %arg6[%dma_wait3A_17] : memref<784xf32, #tpu.memory_space<vmem>> -> memref<768xf32, #tpu.memory_space<vmem>>
      %dma_wait3A_19 = tpu.memref_slice %arg2[%mul3A_4] : memref<24576xf32, #tpu.memory_space<hbm>> -> memref<768xf32, #tpu.memory_space<hbm>>
      tpu.wait_dma2 semaphore(%run_scoped3A : memref<!tpu.dma_semaphore, #tpu.memory_space<semaphore_mem>>) src(%dma_wait3A_19 : memref<768xf32, #tpu.memory_space<hbm>>) dst(%dma_wait3A_18 : memref<768xf32, #tpu.memory_space<vmem>>)
      tpu.yield
    }) : () -> ()
    %scan3A = arith.constant 0 : i32
    %scan3A_5 = arith.constant 0 : i32
    %scan3A_6 = arith.constant 256 : i32
    %scan3A_7 = arith.addi %scan3A_5, %scan3A_6 : i32
    %scan3A_8 = arith.constant 1 : i32
    scf.for %scan3A_10 = %scan3A_5 to %scan3A_7 step %scan3A_8  : i32 {
      %mul3A_11 = arith.constant 3 : i32
      %mul3A_12 = arith.muli %scan3A_10, %mul3A_11 : i32
      %get3A = arith.index_cast %mul3A_12 : i32 to index
      %get3A_13 = tpu.vector_load %arg6[%get3A] {strides = array<i32>} : memref<784xf32, #tpu.memory_space<vmem>>, vector<16xf32>,
      %get3A_14 = vector.shape_cast %get3A_13 : vector<16xf32> to vector<16xf32>
      %slice3A = vector.extract_strided_slice %get3A_14 {offsets = [0], sizes = [1], strides = [1]} : vector<16xf32> to vector<1xf32>
      %squeeze3A = vector.extract %slice3A[0] : f32 from vector<1xf32>
      %broadcast_in_dim3A = vector.broadcast %squeeze3A : f32 to vector<16xf32>
      %slice3A_15 = vector.extract_strided_slice %get3A_14 {offsets = [1], sizes = [1], strides = [1]} : vector<16xf32> to vector<1xf32>
      %squeeze3A_16 = vector.extract %slice3A_15[0] : f32 from vector<1xf32>
      %broadcast_in_dim3A_17 = vector.broadcast %squeeze3A_16 : f32 to vector<16xf32>
      %slice3A_18 = vector.extract_strided_slice %get3A_14 {offsets = [2], sizes = [1], strides = [1]} : vector<16xf32> to vector<1xf32>
      %squeeze3A_19 = vector.extract %slice3A_18[0] : f32 from vector<1xf32>
      %broadcast_in_dim3A_20 = vector.broadcast %squeeze3A_19 : f32 to vector<16xf32>
      %scan3A_21 = arith.constant 0 : i32
      %scan3A_22 = arith.constant 0 : i32
      %scan3A_23 = arith.constant 256 : i32
      %scan3A_24 = arith.addi %scan3A_22, %scan3A_23 : i32
      %scan3A_25 = arith.constant 4 : i32
      scf.for %scan3A_28 = %scan3A_22 to %scan3A_24 step %scan3A_25  : i32 {
        %mul3A_29 = arith.constant 16 : i32
        %mul3A_30 = arith.muli %scan3A_28, %mul3A_29 : i32
        %get3A_31 = arith.constant 0 : i32
        %get3A_32 = arith.index_cast %get3A_31 : i32 to index
        %get3A_33 = arith.index_cast %mul3A_30 : i32 to index
        %get3A_34 = tpu.vector_load %arg5[%get3A_32, %get3A_33] {strides = array<i32>} : memref<3x4096xf32, #tpu.memory_space<vmem>>, vector<1x16xf32>,
        %get3A_35 = vector.shape_cast %get3A_34 : vector<1x16xf32> to vector<16xf32>
        %sub3A = arith.subf %get3A_35, %broadcast_in_dim3A : vector<16xf32>
        %get3A_36 = arith.constant 1 : i32
        %get3A_37 = arith.index_cast %get3A_36 : i32 to index
        %get3A_38 = arith.index_cast %mul3A_30 : i32 to index
        %get3A_39 = tpu.vector_load %arg5[%get3A_37, %get3A_38] {strides = array<i32>} : memref<3x4096xf32, #tpu.memory_space<vmem>>, vector<1x16xf32>,
        %get3A_40 = vector.shape_cast %get3A_39 : vector<1x16xf32> to vector<16xf32>
        %sub3A_41 = arith.subf %get3A_40, %broadcast_in_dim3A_17 : vector<16xf32>
        %get3A_42 = arith.constant 2 : i32
        %get3A_43 = arith.index_cast %get3A_42 : i32 to index
        %get3A_44 = arith.index_cast %mul3A_30 : i32 to index
        %get3A_45 = tpu.vector_load %arg5[%get3A_43, %get3A_44] {strides = array<i32>} : memref<3x4096xf32, #tpu.memory_space<vmem>>, vector<1x16xf32>,
        %get3A_46 = vector.shape_cast %get3A_45 : vector<1x16xf32> to vector<16xf32>
        %sub3A_47 = arith.subf %get3A_46, %broadcast_in_dim3A_20 : vector<16xf32>
        %mul3A_48 = arith.mulf %sub3A, %sub3A : vector<16xf32>
        %mul3A_49 = arith.mulf %sub3A_41, %sub3A_41 : vector<16xf32>
        %add3A_50 = arith.addf %mul3A_48, %mul3A_49 : vector<16xf32>
        %mul3A_51 = arith.mulf %sub3A_47, %sub3A_47 : vector<16xf32>
        %add3A_52 = arith.addf %add3A_50, %mul3A_51 : vector<16xf32>
        %bitcast_convert_type3A = tpu.bitcast %add3A_52 : vector<16xf32> -> vector<16xi32>
        %shift_right_logical3A = arith.constant 1 : i32
        %shift_right_logical3A_53 = vector.broadcast %shift_right_logical3A : i32 to vector<16xi32>
        %shift_right_logical3A_54 = arith.shrui %bitcast_convert_type3A, %shift_right_logical3A_53 : vector<16xi32>
        %sub3A_55 = arith.constant 1597463007 : i32
        %sub3A_56 = vector.broadcast %sub3A_55 : i32 to vector<16xi32>
        %sub3A_57 = arith.subi %sub3A_56, %shift_right_logical3A_54 : vector<16xi32>
        %bitcast_convert_type3A_58 = tpu.bitcast %sub3A_57 : vector<16xi32> -> vector<16xf32>
        %mul3A_59 = arith.constant 5.000000e-01 : f32
        %mul3A_60 = vector.broadcast %mul3A_59 : f32 to vector<16xf32>
        %mul3A_61 = arith.mulf %mul3A_60, %add3A_52 : vector<16xf32>
        %mul3A_62 = arith.mulf %mul3A_61, %bitcast_convert_type3A_58 : vector<16xf32>
        %mul3A_63 = arith.mulf %mul3A_62, %bitcast_convert_type3A_58 : vector<16xf32>
        %sub3A_64 = arith.constant 1.500000e+00 : f32
        %sub3A_65 = vector.broadcast %sub3A_64 : f32 to vector<16xf32>
        %sub3A_66 = arith.subf %sub3A_65, %mul3A_63 : vector<16xf32>
        %mul3A_67 = arith.mulf %bitcast_convert_type3A_58, %sub3A_66 : vector<16xf32>
        %mul3A_68 = arith.constant 5.000000e-01 : f32
        %mul3A_69 = vector.broadcast %mul3A_68 : f32 to vector<16xf32>
        %mul3A_70 = arith.mulf %mul3A_69, %add3A_52 : vector<16xf32>
        %mul3A_71 = arith.mulf %mul3A_70, %mul3A_67 : vector<16xf32>
        %mul3A_72 = arith.mulf %mul3A_71, %mul3A_67 : vector<16xf32>
        %sub3A_73 = arith.constant 1.500000e+00 : f32
        %sub3A_74 = vector.broadcast %sub3A_73 : f32 to vector<16xf32>
        %sub3A_75 = arith.subf %sub3A_74, %mul3A_72 : vector<16xf32>
        %mul3A_76 = arith.mulf %mul3A_67, %sub3A_75 : vector<16xf32>
        %mul3A_77 = arith.mulf %add3A_52, %mul3A_76 : vector<16xf32>
        %swap3A = arith.constant 0 : i32
        %swap3A_78 = arith.index_cast %swap3A : i32 to index
        %swap3A_79 = arith.index_cast %mul3A_30 : i32 to index
        %swap3A_80 = tpu.vector_load %arg7[%swap3A_78, %swap3A_79] {strides = array<i32>} : memref<2x4096xf32, #tpu.memory_space<vmem>>, vector<1x16xf32>,
        %swap3A_81 = vector.shape_cast %swap3A_80 : vector<1x16xf32> to vector<16xf32>
        %swap3A_82 = vector.shape_cast %mul3A_77 : vector<16xf32> to vector<1x16xf32>
        tpu.vector_store %arg7[%swap3A_78, %swap3A_79], %swap3A_82 {strides = array<i32>} : memref<2x4096xf32, #tpu.memory_space<vmem>>, vector<1x16xf32>,
        %scan3A_83 = arith.constant 1 : i32
        %scan3A_84 = arith.addi %scan3A_28, %scan3A_83 : i32
        %mul3A_85 = arith.constant 16 : i32
        %mul3A_86 = arith.muli %scan3A_84, %mul3A_85 : i32
        %get3A_87 = arith.constant 0 : i32
        %get3A_88 = arith.index_cast %get3A_87 : i32 to index
        %get3A_89 = arith.index_cast %mul3A_86 : i32 to index
        %get3A_90 = tpu.vector_load %arg5[%get3A_88, %get3A_89] {strides = array<i32>} : memref<3x4096xf32, #tpu.memory_space<vmem>>, vector<1x16xf32>,
        %get3A_91 = vector.shape_cast %get3A_90 : vector<1x16xf32> to vector<16xf32>
        %sub3A_92 = arith.subf %get3A_91, %broadcast_in_dim3A : vector<16xf32>
        %get3A_93 = arith.constant 1 : i32
        %get3A_94 = arith.index_cast %get3A_93 : i32 to index
        %get3A_95 = arith.index_cast %mul3A_86 : i32 to index
        %get3A_96 = tpu.vector_load %arg5[%get3A_94, %get3A_95] {strides = array<i32>} : memref<3x4096xf32, #tpu.memory_space<vmem>>, vector<1x16xf32>,
        %get3A_97 = vector.shape_cast %get3A_96 : vector<1x16xf32> to vector<16xf32>
        %sub3A_98 = arith.subf %get3A_97, %broadcast_in_dim3A_17 : vector<16xf32>
        %get3A_99 = arith.constant 2 : i32
        %get3A_100 = arith.index_cast %get3A_99 : i32 to index
        %get3A_101 = arith.index_cast %mul3A_86 : i32 to index
        %get3A_102 = tpu.vector_load %arg5[%get3A_100, %get3A_101] {strides = array<i32>} : memref<3x4096xf32, #tpu.memory_space<vmem>>, vector<1x16xf32>,
        %get3A_103 = vector.shape_cast %get3A_102 : vector<1x16xf32> to vector<16xf32>
        %sub3A_104 = arith.subf %get3A_103, %broadcast_in_dim3A_20 : vector<16xf32>
        %mul3A_105 = arith.mulf %sub3A_92, %sub3A_92 : vector<16xf32>
        %mul3A_106 = arith.mulf %sub3A_98, %sub3A_98 : vector<16xf32>
        %add3A_107 = arith.addf %mul3A_105, %mul3A_106 : vector<16xf32>
        %mul3A_108 = arith.mulf %sub3A_104, %sub3A_104 : vector<16xf32>
        %add3A_109 = arith.addf %add3A_107, %mul3A_108 : vector<16xf32>
        %bitcast_convert_type3A_110 = tpu.bitcast %add3A_109 : vector<16xf32> -> vector<16xi32>
        %shift_right_logical3A_111 = arith.constant 1 : i32
        %shift_right_logical3A_112 = vector.broadcast %shift_right_logical3A_111 : i32 to vector<16xi32>
        %shift_right_logical3A_113 = arith.shrui %bitcast_convert_type3A_110, %shift_right_logical3A_112 : vector<16xi32>
        %sub3A_114 = arith.constant 1597463007 : i32
        %sub3A_115 = vector.broadcast %sub3A_114 : i32 to vector<16xi32>
        %sub3A_116 = arith.subi %sub3A_115, %shift_right_logical3A_113 : vector<16xi32>
        %bitcast_convert_type3A_117 = tpu.bitcast %sub3A_116 : vector<16xi32> -> vector<16xf32>
        %mul3A_118 = arith.constant 5.000000e-01 : f32
        %mul3A_119 = vector.broadcast %mul3A_118 : f32 to vector<16xf32>
        %mul3A_120 = arith.mulf %mul3A_119, %add3A_109 : vector<16xf32>
        %mul3A_121 = arith.mulf %mul3A_120, %bitcast_convert_type3A_117 : vector<16xf32>
        %mul3A_122 = arith.mulf %mul3A_121, %bitcast_convert_type3A_117 : vector<16xf32>
        %sub3A_123 = arith.constant 1.500000e+00 : f32
        %sub3A_124 = vector.broadcast %sub3A_123 : f32 to vector<16xf32>
        %sub3A_125 = arith.subf %sub3A_124, %mul3A_122 : vector<16xf32>
        %mul3A_126 = arith.mulf %bitcast_convert_type3A_117, %sub3A_125 : vector<16xf32>
        %mul3A_127 = arith.constant 5.000000e-01 : f32
        %mul3A_128 = vector.broadcast %mul3A_127 : f32 to vector<16xf32>
        %mul3A_129 = arith.mulf %mul3A_128, %add3A_109 : vector<16xf32>
        %mul3A_130 = arith.mulf %mul3A_129, %mul3A_126 : vector<16xf32>
        %mul3A_131 = arith.mulf %mul3A_130, %mul3A_126 : vector<16xf32>
        %sub3A_132 = arith.constant 1.500000e+00 : f32
        %sub3A_133 = vector.broadcast %sub3A_132 : f32 to vector<16xf32>
        %sub3A_134 = arith.subf %sub3A_133, %mul3A_131 : vector<16xf32>
        %mul3A_135 = arith.mulf %mul3A_126, %sub3A_134 : vector<16xf32>
        %mul3A_136 = arith.mulf %add3A_109, %mul3A_135 : vector<16xf32>
        %swap3A_137 = arith.constant 0 : i32
        %swap3A_138 = arith.index_cast %swap3A_137 : i32 to index
        %swap3A_139 = arith.index_cast %mul3A_86 : i32 to index
        %swap3A_140 = tpu.vector_load %arg7[%swap3A_138, %swap3A_139] {strides = array<i32>} : memref<2x4096xf32, #tpu.memory_space<vmem>>, vector<1x16xf32>,
        %swap3A_141 = vector.shape_cast %swap3A_140 : vector<1x16xf32> to vector<16xf32>
        %swap3A_142 = vector.shape_cast %mul3A_136 : vector<16xf32> to vector<1x16xf32>
        tpu.vector_store %arg7[%swap3A_138, %swap3A_139], %swap3A_142 {strides = array<i32>} : memref<2x4096xf32, #tpu.memory_space<vmem>>, vector<1x16xf32>,
        %scan3A_143 = arith.constant 2 : i32
        %scan3A_144 = arith.addi %scan3A_28, %scan3A_143 : i32
        %mul3A_145 = arith.constant 16 : i32
        %mul3A_146 = arith.muli %scan3A_144, %mul3A_145 : i32
        %get3A_147 = arith.constant 0 : i32
        %get3A_148 = arith.index_cast %get3A_147 : i32 to index
        %get3A_149 = arith.index_cast %mul3A_146 : i32 to index
        %get3A_150 = tpu.vector_load %arg5[%get3A_148, %get3A_149] {strides = array<i32>} : memref<3x4096xf32, #tpu.memory_space<vmem>>, vector<1x16xf32>,
        %get3A_151 = vector.shape_cast %get3A_150 : vector<1x16xf32> to vector<16xf32>
        %sub3A_152 = arith.subf %get3A_151, %broadcast_in_dim3A : vector<16xf32>
        %get3A_153 = arith.constant 1 : i32
        %get3A_154 = arith.index_cast %get3A_153 : i32 to index
        %get3A_155 = arith.index_cast %mul3A_146 : i32 to index
        %get3A_156 = tpu.vector_load %arg5[%get3A_154, %get3A_155] {strides = array<i32>} : memref<3x4096xf32, #tpu.memory_space<vmem>>, vector<1x16xf32>,
        %get3A_157 = vector.shape_cast %get3A_156 : vector<1x16xf32> to vector<16xf32>
        %sub3A_158 = arith.subf %get3A_157, %broadcast_in_dim3A_17 : vector<16xf32>
        %get3A_159 = arith.constant 2 : i32
        %get3A_160 = arith.index_cast %get3A_159 : i32 to index
        %get3A_161 = arith.index_cast %mul3A_146 : i32 to index
        %get3A_162 = tpu.vector_load %arg5[%get3A_160, %get3A_161] {strides = array<i32>} : memref<3x4096xf32, #tpu.memory_space<vmem>>, vector<1x16xf32>,
        %get3A_163 = vector.shape_cast %get3A_162 : vector<1x16xf32> to vector<16xf32>
        %sub3A_164 = arith.subf %get3A_163, %broadcast_in_dim3A_20 : vector<16xf32>
        %mul3A_165 = arith.mulf %sub3A_152, %sub3A_152 : vector<16xf32>
        %mul3A_166 = arith.mulf %sub3A_158, %sub3A_158 : vector<16xf32>
        %add3A_167 = arith.addf %mul3A_165, %mul3A_166 : vector<16xf32>
        %mul3A_168 = arith.mulf %sub3A_164, %sub3A_164 : vector<16xf32>
        %add3A_169 = arith.addf %add3A_167, %mul3A_168 : vector<16xf32>
        %bitcast_convert_type3A_170 = tpu.bitcast %add3A_169 : vector<16xf32> -> vector<16xi32>
        %shift_right_logical3A_171 = arith.constant 1 : i32
        %shift_right_logical3A_172 = vector.broadcast %shift_right_logical3A_171 : i32 to vector<16xi32>
        %shift_right_logical3A_173 = arith.shrui %bitcast_convert_type3A_170, %shift_right_logical3A_172 : vector<16xi32>
        %sub3A_174 = arith.constant 1597463007 : i32
        %sub3A_175 = vector.broadcast %sub3A_174 : i32 to vector<16xi32>
        %sub3A_176 = arith.subi %sub3A_175, %shift_right_logical3A_173 : vector<16xi32>
        %bitcast_convert_type3A_177 = tpu.bitcast %sub3A_176 : vector<16xi32> -> vector<16xf32>
        %mul3A_178 = arith.constant 5.000000e-01 : f32
        %mul3A_179 = vector.broadcast %mul3A_178 : f32 to vector<16xf32>
        %mul3A_180 = arith.mulf %mul3A_179, %add3A_169 : vector<16xf32>
        %mul3A_181 = arith.mulf %mul3A_180, %bitcast_convert_type3A_177 : vector<16xf32>
        %mul3A_182 = arith.mulf %mul3A_181, %bitcast_convert_type3A_177 : vector<16xf32>
        %sub3A_183 = arith.constant 1.500000e+00 : f32
        %sub3A_184 = vector.broadcast %sub3A_183 : f32 to vector<16xf32>
        %sub3A_185 = arith.subf %sub3A_184, %mul3A_182 : vector<16xf32>
        %mul3A_186 = arith.mulf %bitcast_convert_type3A_177, %sub3A_185 : vector<16xf32>
        %mul3A_187 = arith.constant 5.000000e-01 : f32
        %mul3A_188 = vector.broadcast %mul3A_187 : f32 to vector<16xf32>
        %mul3A_189 = arith.mulf %mul3A_188, %add3A_169 : vector<16xf32>
        %mul3A_190 = arith.mulf %mul3A_189, %mul3A_186 : vector<16xf32>
        %mul3A_191 = arith.mulf %mul3A_190, %mul3A_186 : vector<16xf32>
        %sub3A_192 = arith.constant 1.500000e+00 : f32
        %sub3A_193 = vector.broadcast %sub3A_192 : f32 to vector<16xf32>
        %sub3A_194 = arith.subf %sub3A_193, %mul3A_191 : vector<16xf32>
        %mul3A_195 = arith.mulf %mul3A_186, %sub3A_194 : vector<16xf32>
        %mul3A_196 = arith.mulf %add3A_169, %mul3A_195 : vector<16xf32>
        %swap3A_197 = arith.constant 0 : i32
        %swap3A_198 = arith.index_cast %swap3A_197 : i32 to index
        %swap3A_199 = arith.index_cast %mul3A_146 : i32 to index
        %swap3A_200 = tpu.vector_load %arg7[%swap3A_198, %swap3A_199] {strides = array<i32>} : memref<2x4096xf32, #tpu.memory_space<vmem>>, vector<1x16xf32>,
        %swap3A_201 = vector.shape_cast %swap3A_200 : vector<1x16xf32> to vector<16xf32>
        %swap3A_202 = vector.shape_cast %mul3A_196 : vector<16xf32> to vector<1x16xf32>
        tpu.vector_store %arg7[%swap3A_198, %swap3A_199], %swap3A_202 {strides = array<i32>} : memref<2x4096xf32, #tpu.memory_space<vmem>>, vector<1x16xf32>,
        %scan3A_203 = arith.constant 3 : i32
        %scan3A_204 = arith.addi %scan3A_28, %scan3A_203 : i32
        %mul3A_205 = arith.constant 16 : i32
        %mul3A_206 = arith.muli %scan3A_204, %mul3A_205 : i32
        %get3A_207 = arith.constant 0 : i32
        %get3A_208 = arith.index_cast %get3A_207 : i32 to index
        %get3A_209 = arith.index_cast %mul3A_206 : i32 to index
        %get3A_210 = tpu.vector_load %arg5[%get3A_208, %get3A_209] {strides = array<i32>} : memref<3x4096xf32, #tpu.memory_space<vmem>>, vector<1x16xf32>,
        %get3A_211 = vector.shape_cast %get3A_210 : vector<1x16xf32> to vector<16xf32>
        %sub3A_212 = arith.subf %get3A_211, %broadcast_in_dim3A : vector<16xf32>
        %get3A_213 = arith.constant 1 : i32
        %get3A_214 = arith.index_cast %get3A_213 : i32 to index
        %get3A_215 = arith.index_cast %mul3A_206 : i32 to index
        %get3A_216 = tpu.vector_load %arg5[%get3A_214, %get3A_215] {strides = array<i32>} : memref<3x4096xf32, #tpu.memory_space<vmem>>, vector<1x16xf32>,
        %get3A_217 = vector.shape_cast %get3A_216 : vector<1x16xf32> to vector<16xf32>
        %sub3A_218 = arith.subf %get3A_217, %broadcast_in_dim3A_17 : vector<16xf32>
        %get3A_219 = arith.constant 2 : i32
        %get3A_220 = arith.index_cast %get3A_219 : i32 to index
        %get3A_221 = arith.index_cast %mul3A_206 : i32 to index
        %get3A_222 = tpu.vector_load %arg5[%get3A_220, %get3A_221] {strides = array<i32>} : memref<3x4096xf32, #tpu.memory_space<vmem>>, vector<1x16xf32>,
        %get3A_223 = vector.shape_cast %get3A_222 : vector<1x16xf32> to vector<16xf32>
        %sub3A_224 = arith.subf %get3A_223, %broadcast_in_dim3A_20 : vector<16xf32>
        %mul3A_225 = arith.mulf %sub3A_212, %sub3A_212 : vector<16xf32>
        %mul3A_226 = arith.mulf %sub3A_218, %sub3A_218 : vector<16xf32>
        %add3A_227 = arith.addf %mul3A_225, %mul3A_226 : vector<16xf32>
        %mul3A_228 = arith.mulf %sub3A_224, %sub3A_224 : vector<16xf32>
        %add3A_229 = arith.addf %add3A_227, %mul3A_228 : vector<16xf32>
        %bitcast_convert_type3A_230 = tpu.bitcast %add3A_229 : vector<16xf32> -> vector<16xi32>
        %shift_right_logical3A_231 = arith.constant 1 : i32
        %shift_right_logical3A_232 = vector.broadcast %shift_right_logical3A_231 : i32 to vector<16xi32>
        %shift_right_logical3A_233 = arith.shrui %bitcast_convert_type3A_230, %shift_right_logical3A_232 : vector<16xi32>
        %sub3A_234 = arith.constant 1597463007 : i32
        %sub3A_235 = vector.broadcast %sub3A_234 : i32 to vector<16xi32>
        %sub3A_236 = arith.subi %sub3A_235, %shift_right_logical3A_233 : vector<16xi32>
        %bitcast_convert_type3A_237 = tpu.bitcast %sub3A_236 : vector<16xi32> -> vector<16xf32>
        %mul3A_238 = arith.constant 5.000000e-01 : f32
        %mul3A_239 = vector.broadcast %mul3A_238 : f32 to vector<16xf32>
        %mul3A_240 = arith.mulf %mul3A_239, %add3A_229 : vector<16xf32>
        %mul3A_241 = arith.mulf %mul3A_240, %bitcast_convert_type3A_237 : vector<16xf32>
        %mul3A_242 = arith.mulf %mul3A_241, %bitcast_convert_type3A_237 : vector<16xf32>
        %sub3A_243 = arith.constant 1.500000e+00 : f32
        %sub3A_244 = vector.broadcast %sub3A_243 : f32 to vector<16xf32>
        %sub3A_245 = arith.subf %sub3A_244, %mul3A_242 : vector<16xf32>
        %mul3A_246 = arith.mulf %bitcast_convert_type3A_237, %sub3A_245 : vector<16xf32>
        %mul3A_247 = arith.constant 5.000000e-01 : f32
        %mul3A_248 = vector.broadcast %mul3A_247 : f32 to vector<16xf32>
        %mul3A_249 = arith.mulf %mul3A_248, %add3A_229 : vector<16xf32>
        %mul3A_250 = arith.mulf %mul3A_249, %mul3A_246 : vector<16xf32>
        %mul3A_251 = arith.mulf %mul3A_250, %mul3A_246 : vector<16xf32>
        %sub3A_252 = arith.constant 1.500000e+00 : f32
        %sub3A_253 = vector.broadcast %sub3A_252 : f32 to vector<16xf32>
        %sub3A_254 = arith.subf %sub3A_253, %mul3A_251 : vector<16xf32>
        %mul3A_255 = arith.mulf %mul3A_246, %sub3A_254 : vector<16xf32>
        %mul3A_256 = arith.mulf %add3A_229, %mul3A_255 : vector<16xf32>
        %swap3A_257 = arith.constant 0 : i32
        %swap3A_258 = arith.index_cast %swap3A_257 : i32 to index
        %swap3A_259 = arith.index_cast %mul3A_206 : i32 to index
        %swap3A_260 = tpu.vector_load %arg7[%swap3A_258, %swap3A_259] {strides = array<i32>} : memref<2x4096xf32, #tpu.memory_space<vmem>>, vector<1x16xf32>,
        %swap3A_261 = vector.shape_cast %swap3A_260 : vector<1x16xf32> to vector<16xf32>
        %swap3A_262 = vector.shape_cast %mul3A_256 : vector<16xf32> to vector<1x16xf32>
        tpu.vector_store %arg7[%swap3A_258, %swap3A_259], %swap3A_262 {strides = array<i32>} : memref<2x4096xf32, #tpu.memory_space<vmem>>, vector<1x16xf32>,
      }
      %scan3A_26 = arith.constant 256 : i32
      %add3A_27 = arith.addi %mul3A_2, %scan3A_10 : i32
      %run_scoped3A = arith.constant 0 : i32
      "tpu.region"() ({
        %run_scoped3A_28 = tpu.sem_alloc : memref<!tpu.dma_semaphore, #tpu.memory_space<semaphore_mem>>
        %dma_start3A = arith.constant 0 : i32
        %dma_start3A_29 = tpu.memref_slice %arg7[%run_scoped3A, %dma_start3A] : memref<2x4096xf32, #tpu.memory_space<vmem>> -> memref<1x4096xf32, #tpu.memory_space<vmem>>
        %dma_start3A_30 = tpu.memref_squeeze %dma_start3A_29 : memref<1x4096xf32, #tpu.memory_space<vmem>> -> memref<4096xf32, #tpu.memory_space<vmem>>
        %dma_start3A_31 = arith.constant 0 : i32
        %dma_start3A_32 = tpu.memref_slice %arg4[%add3A_27, %dma_start3A_31] : memref<8192x4096xf32, #tpu.memory_space<hbm>> -> memref<1x4096xf32, #tpu.memory_space<hbm>>
        %dma_start3A_33 = tpu.memref_squeeze %dma_start3A_32 : memref<1x4096xf32, #tpu.memory_space<hbm>> -> memref<4096xf32, #tpu.memory_space<hbm>>
        %dma_start3A_34 = arith.constant 0 : i32
        %dma_start3A_35 = tpu.memref_slice %arg4[%add3A_27, %dma_start3A_34] : memref<8192x4096xf32, #tpu.memory_space<hbm>> -> memref<1x4096xf32, #tpu.memory_space<hbm>>
        %dma_start3A_36 = tpu.memref_squeeze %dma_start3A_35 : memref<1x4096xf32, #tpu.memory_space<hbm>> -> memref<4096xf32, #tpu.memory_space<hbm>>
        %dma_start3A_37 = arith.constant 0 : i32
        %dma_start3A_38 = tpu.memref_slice %arg7[%run_scoped3A, %dma_start3A_37] : memref<2x4096xf32, #tpu.memory_space<vmem>> -> memref<1x4096xf32, #tpu.memory_space<vmem>>
        %dma_start3A_39 = tpu.memref_squeeze %dma_start3A_38 : memref<1x4096xf32, #tpu.memory_space<vmem>> -> memref<4096xf32, #tpu.memory_space<vmem>>
        tpu.enqueue_dma source(%dma_start3A_39 : memref<4096xf32, #tpu.memory_space<vmem>>) target(%dma_start3A_36 : memref<4096xf32, #tpu.memory_space<hbm>>) target_semaphore(%run_scoped3A_28 : memref<!tpu.dma_semaphore, #tpu.memory_space<semaphore_mem>>)
        %dma_wait3A = arith.constant 0 : i32
        %dma_wait3A_40 = tpu.memref_slice %arg7[%run_scoped3A, %dma_wait3A] : memref<2x4096xf32, #tpu.memory_space<vmem>> -> memref<1x4096xf32, #tpu.memory_space<vmem>>
        %dma_wait3A_41 = tpu.memref_squeeze %dma_wait3A_40 : memref<1x4096xf32, #tpu.memory_space<vmem>> -> memref<4096xf32, #tpu.memory_space<vmem>>
        %dma_wait3A_42 = arith.constant 0 : i32
        %dma_wait3A_43 = tpu.memref_slice %arg4[%add3A_27, %dma_wait3A_42] : memref<8192x4096xf32, #tpu.memory_space<hbm>> -> memref<1x4096xf32, #tpu.memory_space<hbm>>
        %dma_wait3A_44 = tpu.memref_squeeze %dma_wait3A_43 : memref<1x4096xf32, #tpu.memory_space<hbm>> -> memref<4096xf32, #tpu.memory_space<hbm>>
        %dma_wait3A_45 = arith.constant 0 : i32
        %dma_wait3A_46 = tpu.memref_slice %arg4[%add3A_27, %dma_wait3A_45] : memref<8192x4096xf32, #tpu.memory_space<hbm>> -> memref<1x4096xf32, #tpu.memory_space<hbm>>
        %dma_wait3A_47 = tpu.memref_squeeze %dma_wait3A_46 : memref<1x4096xf32, #tpu.memory_space<hbm>> -> memref<4096xf32, #tpu.memory_space<hbm>>
        %dma_wait3A_48 = arith.constant 0 : i32
        %dma_wait3A_49 = tpu.memref_slice %arg7[%run_scoped3A, %dma_wait3A_48] : memref<2x4096xf32, #tpu.memory_space<vmem>> -> memref<1x4096xf32, #tpu.memory_space<vmem>>
        %dma_wait3A_50 = tpu.memref_squeeze %dma_wait3A_49 : memref<1x4096xf32, #tpu.memory_space<vmem>> -> memref<4096xf32, #tpu.memory_space<vmem>>
        tpu.wait_dma2 semaphore(%run_scoped3A_28 : memref<!tpu.dma_semaphore, #tpu.memory_space<semaphore_mem>>) src(%dma_wait3A_50 : memref<4096xf32, #tpu.memory_space<vmem>>) dst(%dma_wait3A_47 : memref<4096xf32, #tpu.memory_space<hbm>>)
        tpu.yield
      }) : () -> ()
    }
    %scan3A_9 = arith.constant 256 : i32
    return
  }
}

</mosaic_0001>

<sc_bundles>
// kernel: kernel.3.cloned.1.call-start
scs
__scs_entry_jumppad:
0x0: {  	(pc) =	sbr.rel $0x88, $3  }
0x1: {  	(tag) =	ssettag $0x0;
	lr =	simm.s32 $0x1  }
0x2: {  	[smem:$0x3F9F] =	sst lr;
	_ =	strace $0xD0000000  }
0x3: {  	_ = 	snop  }
0x4: {  	_ = 	snop  }
0x5: {  	_ = 	snop  }
0x6: {  	_ = 	snop  }
0x7: {  	_ = 	snop  }
__scs_overlays_trampoline_lowered:
0x8: {  	[smem:$0x3FAE] =	sst s0  }
0x9: {  	[smem:$0x3FAF] =	sst s1  }
0xa: {  	[smem:$0x3FB0] =	sst s2  }
0xb: {  	[smem:$0x3FB1] =	sst s3  }
0xc: {  	[smem:$0x3FB2] =	sst s4  }
0xd: {  	[smem:$0x3FB3] =	sst s5  }
0xe: {  	[smem:$0x3FB4] =	sst s6  }
0xf: {  	[smem:$0x3FB5] =	sst s7  }
0x10: {  	[smem:$0x3FB6] =	sst s8  }
0x11: {  	[smem:$0x3FB7] =	sst s9;
	s0 =	simm.s32 @!p0 $0x0  }
0x12: {  	s1 =	sld [smem:$0x3F9D];
	s0 =	simm.s32 @p0 $0x1  }
0x13: {  	[smem:$0x3FB8] =	sst s0;
	s0 =	simm.s32 @!p1 $0x0  }
0x14: {  	s2 =	sld [smem:$0x3F9C];
	s0 =	simm.s32 @p1 $0x1  }
0x15: {  	[smem:$0x3FB9] =	sst s0;
	s0 =	simm.s32 @!p2 $0x0  }
0x16: {  	s3 =	sld [smem:$0x3FDB];
	s0 =	simm.s32 @p2 $0x1  }
0x17: {  	s4 =	simm.s32 $0x1BF5;
	[smem:$0x3FBB] =	sst s0  }
0x18: {  	s0 =	sld [smem:$0x3F9E];
	_ =	swait.ge [sflag:s4], $0x0  }
0x19: {  	s7 =	sld [smem:$0x3F9F]  }
0x1a: {  	s8 =	sadd.s32 $0xFFFFE003, lr  }
0x1b: {  	s9 =	sadd.s32 $0xFFFFFEF7, lr;
	s5 =	simm.s32 $0xFFFFFFFF;
	p2 =	slt.u32 s8, $0xFFFFF086  }
0x1c: {  	p1 =	slt.u32 s9, $0xF7A;
	s5 =	simm.s32 @!p2 $0x0  }
0x1d: {  	s5 =	simm.s32 @p1 $0x1;
	p0 =	seq.s32 s7, s2  }
0x1e: {  	s7 =	smul.u32 @!p0 $0xF7A, s2;
	p2 =	seq.s32 @!p0 s5, $0x0  }
0x1f: {  	s9 =	smul.u32 $0xF7A, s1;
	s8 =	simm.s32 @!p0 $0x1BF5;
	p2 =	por !p2, p0  }
0x20: {  	[sflag:s8] =	ssyncset.s32 @!p0 $0xFFFFF086;
	s6 =	sadd.s32 @!p0 s3, s7;
	s7 =	simm.s32 @!p0 $0x108  }
0x21: {  	s3 =	sadd.s32 s3, s9;
	s6 =	sadd.s32 @!p0 $0x88, s6;
	s7 =	simm.s32 @p2 $0x1082  }
0x22: {  	[simem:s7], [sflag:s8] =	dma.local @!p0 [hbm:s6], $0xF7A  }
0x23: {  	s9 =	sor.u32 $0xD0000000, s2;
	s6 =	simm.s32 $0x108;
	_ =	swait.ge @!p0 [sflag:s8], $0x0  }
0x24: {  	s3 =	sadd.s32 $0x88, s3;
	s6 =	simm.s32 @!p1 $0x1082;
	[sflag:s4] =	ssyncset.s32 $0xFFFFF086  }
0x25: {  	[simem:s6], [sflag:s4] =	dma.local [hbm:s3], $0xF7A  }
0x26: {  	[smem:$0x3F9F] =	sst s1;
	(tag) =	ssettag s2;
	_ =	strace s9  }
0x27: {  	s1 =	sld [smem:$0x3FAF]  }
0x28: {  	s2 =	sld [smem:$0x3FB0]  }
0x29: {  	s4 =	sld [smem:$0x3FB2]  }
0x2a: {  	p0 =	seq.s32 s5, $0x0;
	s5 =	sld [smem:$0x3FB3]  }
0x2b: {  	s6 =	sld [smem:$0x3FB4]  }
0x2c: {  	s7 =	sld [smem:$0x3FB5]  }
0x2d: {  	s3 =	simm.s32 $0x108;
	s8 =	sld [smem:$0x3FB6]  }
0x2e: {  	s3 =	simm.s32 @!p0 $0x1082;
	s9 =	sld [smem:$0x3FB7]  }
0x2f: {  	lr =	sadd.s32 s0, s3;
	s0 =	sld [smem:$0x3FAE]  }
0x30: {  	s3 =	sld [smem:$0x3FB1]  }
0x31: {  	[smem:$0x3FBA] =	sst s10  }
0x32: {  	s10 =	sld [smem:$0x3FB8];
	_ =	sdelay $0x3  }
0x33: {  	p0 =	seq.s32 s10, $0x1;
	s10 =	sld [smem:$0x3FBA];
	_ =	sdelay $0x3  }
0x34: {  	[smem:$0x3FBA] =	sst s10  }
0x35: {  	s10 =	sld [smem:$0x3FB9];
	_ =	sdelay $0x3  }
0x36: {  	p1 =	seq.s32 s10, $0x1;
	s10 =	sld [smem:$0x3FBA];
	_ =	sdelay $0x3  }
0x37: {  	[smem:$0x3FBA] =	sst s10  }
0x38: {  	s10 =	sld [smem:$0x3FBB]  }
0x39: {  	_ = 	snop;
	(pc) =	sbr.ind lr, $3  }
0x3a: {  	_ = 	snop  }
0x3b: {  	_ = 	snop  }
0x3c: {  	p2 =	seq.s32 s10, $0x1;
	s10 =	sld [smem:$0x3FBA]  }
0x3d: {  	_ =	shalt  }
0x3e: {  	_ =	shalt  }
0x3f: {  	_ =	shalt  }
0x40: {  	_ =	shalt  }
0x41: {  	_ =	shalt  }
0x42: {  	_ =	shalt  }
0x43: {  	_ =	shalt  }
0x44: {  	_ =	shalt  }
0x45: {  	_ =	shalt  }
0x46: {  	_ =	shalt  }
0x47: {  	_ =	shalt  }
0x48: {  	_ =	shalt  }
0x49: {  	_ =	shalt  }
0x4a: {  	_ =	shalt  }
0x4b: {  	_ =	shalt  }
0x4c: {  	_ =	shalt  }
0x4d: {  	_ =	shalt  }
0x4e: {  	_ =	shalt  }
0x4f: {  	_ =	shalt  }
0x50: {  	_ =	shalt  }
0x51: {  	_ =	shalt  }
0x52: {  	_ =	shalt  }
0x53: {  	_ =	shalt  }
0x54: {  	_ =	shalt  }
0x55: {  	_ =	shalt  }
0x56: {  	_ =	shalt  }
0x57: {  	_ =	shalt  }
0x58: {  	_ =	shalt  }
0x59: {  	_ =	shalt  }
0x5a: {  	_ =	shalt  }
0x5b: {  	_ =	shalt  }
0x5c: {  	_ =	shalt  }
0x5d: {  	_ =	shalt  }
0x5e: {  	_ =	shalt  }
0x5f: {  	_ =	shalt  }
0x60: {  	_ =	shalt  }
0x61: {  	_ =	shalt  }
0x62: {  	_ =	shalt  }
0x63: {  	_ =	shalt  }
0x64: {  	_ =	shalt  }
0x65: {  	_ =	shalt  }
0x66: {  	_ =	shalt  }
0x67: {  	_ =	shalt  }
0x68: {  	_ =	shalt  }
0x69: {  	_ =	shalt  }
0x6a: {  	_ =	shalt  }
0x6b: {  	_ =	shalt  }
0x6c: {  	_ =	shalt  }
0x6d: {  	_ =	shalt  }
0x6e: {  	_ =	shalt  }
0x6f: {  	_ =	shalt  }
0x70: {  	_ =	shalt  }
0x71: {  	_ =	shalt  }
0x72: {  	_ =	shalt  }
0x73: {  	_ =	shalt  }
0x74: {  	_ =	shalt  }
0x75: {  	_ =	shalt  }
0x76: {  	_ =	shalt  }
0x77: {  	_ =	shalt  }
0x78: {  	_ =	shalt  }
0x79: {  	_ =	shalt  }
0x7a: {  	_ =	shalt  }
0x7b: {  	_ =	shalt  }
0x7c: {  	_ =	shalt  }
0x7d: {  	_ =	shalt  }
0x7e: {  	_ =	shalt  }
0x7f: {  	_ =	shalt  }
0x80: {  	_ =	shalt  }
0x81: {  	_ =	shalt  }
0x82: {  	_ =	shalt  }
0x83: {  	_ =	shalt  }
0x84: {  	_ =	shalt  }
0x85: {  	_ =	shalt  }
0x86: {  	_ =	shalt  }
0x87: {  	_ =	shalt  }
.Lfunc_end0:
.L_simem_size_0:
called_computation_lowered:
.L_overlay_start_0:
0x88: {  	s2 =	sld [smem:$0x3FD9]  }
0x89: {  	s3 =	sld [smem:$0x3FFE];
	_ =	sdelay $0x1  }
0x8a: {  	s1 =	srdreg.scid  }
0x8b: {  	s0 =	sand.u32 $0x1, s1  }
0x8c: {  	s17 =	sshll.u32 s0, $0xA;
	s2 =	sadd.s32 s3, s2  }
0x8d: {  	s2 =	sadd.s32 s2, s17  }
0x8e: {  	[smem:$0x3FC6] =	sst s2  }
0x8f: {  	_ = 	snop  }
0x90: {  	s2 =	sld [smem:$0x3FD0];
	(tm) =	ssettm $0x1  }
0x91: {  	s18 =	sld [smem:$0x3FFB];
	_ =	sdelay $0x3  }
0x92: {  	_ =	strace s18  }
0x93: {  	s3 =	sld [smem:$0x3FFC];
	_ =	sdelay $0x3  }
0x94: {  	_ =	strace s3  }
0x95: {  	s3 =	sld [smem:$0x3FFD];
	_ =	sdelay $0x3  }
0x96: {  	_ =	strace s3  }
0x97: {  	_ =	strace $0x8FFFFFFF  }
0x98: {  	s19 =	sld [smem:$0x3FDB];
	_ =	sdelay $0x1  }
0x99: {  	s4 =	simm.s32 $_scs_section_size  }
0x9a: {  	s5 =	simm.s32 $_size__tile_overlayer_lowered;
	s6 =	simm.s32 $_tile_overlayer_lowered  }
0x9b: {  	s22 =	simm.s32 $0x1BFF;
	s21 =	sshll.u32 s6, $0x1;
	s3 =	sadd.s32 s4, s19  }
0x9c: {  	s7 =	simm.s32 $0x0;
	s20 =	sshll.u32 s5, $0x1;
	s5 =	sadd.s32 s21, s3  }
0x9d: {  	[timem:s7], [sflag:s22] =	dma.local [hbm:s5], s20  }
0x9e: {  	_ =	swait.ge [sflag:s22], s20  }
0x9f: {  	s4 =	ssub.s32 $0x0, s20;
	[sflag:s22] =	ssyncset.done $0x0  }
0xa0: {  	[sflag:s22] =	ssyncadd.s32 s4;
	_ =	sdelay $0x1  }
0xa1: {  	s23 =	simm.s32 $0x1B8B  }
0xa2: {  	_ =	swait.ge [sflag:s23], $0x1  }
0xa3: {  	[sflag:s23] =	ssyncset.done $0x0  }
0xa4: {  	s25 =	simm.s32 $0x1B8E;
	s24 =	sld [smem:$0x3FFE];
	[sflag:s23] =	ssyncadd.s32 $0xFFFFFFFF  }
0xa5: {  	s26 =	simm.s32 $execute0_lowered;
	[smem:$0x3FD2] =	sst s25  }
0xa6: {  	s5 =	sshll.u32 s26, $0x1;
	_ =	strace $0x80000046;
	[dreg:$0x1] =	wrdreg $0xFFFFFFFF  }
0xa7: {  	s28 =	simm.s32 $_size_execute0_lowered;
	s3 =	sadd.s32 s3, s5;
	[dreg:$0x0] =	wrdreg $0x0  }
0xa8: {  	s5 =	sshll.u32 s28, $0x1;
	[dreg:$0x2] =	wrdreg s3  }
0xa9: {  	[dreg:$0x3] =	wrdreg s5  }
0xaa: {  	[dreg:$0x4] =	wrdreg $0xC0  }
0xab: {  	_ =	task [dreg:s7], $0x5FFFF  }
0xac: {  	[dreg:$0x1] =	wrdreg $0xFFFFFFFF  }
0xad: {  	[dreg:$0x0] =	wrdreg $0x60  }
0xae: {  	[dreg:$0x2] =	wrdreg s2  }
0xaf: {  	[dreg:$0x3] =	wrdreg s24  }
0xb0: {  	[dreg:$0x4] =	wrdreg $0x9  }
0xb1: {  	_ =	task.clear_ibuf [dreg:s7], $0x5FFFF;
	_ =	strace $0x90000046  }
0xb2: {  	s29 =	simm.s32 $0x9;
	_ =	strace $0x80000048  }
0xb3: {  	_ =	swait.ge [sflag:s29], $0x1  }
0xb4: {  	[sflag:s29] =	ssyncadd.s32 $0xFFFFFFFF  }
0xb5: {  	_ =	strace $0x90000048  }
0xb6: {  	_ =	sfence  }
0xb7: {  	s30 =	sld [smem:$0x0];
	_ =	sdelay $0x2  }
0xb8: {  	s31 =	sshll.u32 s1, $0xD;
	s1 =	sshrl.u32 s1, $0x2  }
0xb9: {  	s3 =	sand.u32 $0x4000, s31;
	s1 =	sadd.s32 s1, s30  }
0xba: {  	s0 =	sor.u32 s3, s0;
	s1 =	sshll.u32 s1, $0x11  }
0xbb: {  	s0 =	sor.u32 s1, s0  }
0xbc: {  	s0 =	sadd.s32 $0x8F2B, s0  }
0xbd: {  	[sflag:s0] =	ssyncadd.remote.s32 $0x1  }
0xbe: {  	_ =	sfence.sel $0xFFFF  }
0xbf: {  	[dreg:$0x0] =	wrdreg $0xFFFFFFFF;
	(pc) =	sbr.abs _section_cstart, $3  }
0xc0: {  	[dreg:$0x1] =	wrdreg $0xFFFFFFFF  }
0xc1: {  	_ =	task.clear_ibuf [dreg:s7], $0x2FFFF;
	_ =	strace $0x9FFFFFFF  }
0xc2: {  	(tm) =	ssettm $0x7FFFFFFF  }
0xc3: {  	_ =	shalt  }
tec
execute0_lowered:
.L_overlay_start_1:
0x0: {  	(tag) =	ssettag $0x1  }
0x1: {  	s4 =	rddreg [dreg:$0x0]  }
0x2: {  	s5 =	rddreg [dreg:$0x1]  }
0x3: {  	s0 =	rddreg [dreg:$0x2]  }
0x4: {  	s2 =	simm.s32 $0x0;
	s3 =	srdreg.scid;
	s1 =	stileid.u32  }
0x5: {  	[smem:$0x7FF] =	sst s2;
	s3 =	sand.u32 $0x1, s3;
	s6 =	sshll.u32 s1, $0x1  }
0x6: {  	_ =	strace $0x80000047;
	s6 =	sor.u32 s3, s6;
	s7 =	ssub.s32 $0x2, s3  }
0x7: {  	s8 =	sshll.u32 s6, $0x11;
	s9 =	sshrl.u32 s7, $0x1;
	s6 =	smul.u32 $0x60, s6  }
0x8: {  	s3 =	sadd.s32 $0x400, s5;
	s5 =	sadd.s32 s8, s5;
	s7 =	ssub.s32 s7, s9  }
0x9: {  	s8 =	simm.s32 $0x4000;
	s9 =	simm.s32 $0x0;
	s4 =	sadd.s32 s4, s6  }
0xa: {  	s5 =	sadd.s32 $0xC00, s5;
	s6 =	smax.u32 s7, $0x1;
	s7 =	simm.s32 $0x1  }
.LBB2_1:
0xb: {  	[tilespmem:s2], [sflag:$0x1] =	stream.linear.gather [hbm4b:s3+s2], $0x4000, $0x38;
	[tilespmem:$0x6380] =	vst v63  }
0xc: {  	_ =	swait.ge [sflag:s7], $0x4000  }
0xd: {  	[sflag:s7] =	ssyncset.done $0x0  }
0xe: {  	[sflag:s7] =	ssyncadd.s32 $0xFFFFC000  }
0xf: {  	[tilespmem:s8], [sflag:$0x1] =	stream.linear.gather [hbm4b:s4+s2], $0x300, $0x38;
	[tilespmem:$0x6380] =	vst v63  }
0x10: {  	_ =	swait.ge [sflag:s7], $0x300  }
0x11: {  	[sflag:s7] =	ssyncset.done $0x0  }
0x12: {  	s10 =	simm.s32 $0x0;
	[sflag:s7] =	ssyncadd.s32 $0xFFFFFD00  }
.LBB2_2:
0x13: {  	s12 =	smul.u32 $0xC, s10  }
0x14: {  	s11 =	simm.s32 $0x0;
	s14 =	simm.s32 $0x0  }
0x15: {  	s13 =	sand.u32 $0x40, s11;
	s23 =	sand.u32 $0x3FFFFE00, s14;
	s15 =	sshra.s32 s12, $0x2  }
0x16: {  	s14 =	sor.u32 s13, s23;
	v2 =	vld [tilespmem:s15+$0x4000]  }
0x17: {  	v3 =	vld [tilespmem:s14+$0x80]  }
0x18: {  	v4 =	vld [tilespmem:s14+$0x0];
	_ =	sdelay $0x1  }
0x19: {  	v5 =	vld [tilespmem:s14+$0x100]  }
0x1a: {  	v0 =	vbroadcast v2, $0x0;
	v1 =	vbroadcast v2, $0x1;
	_ =	sdelay $0x1  }
0x1b: {  	v2 =	vbroadcast v2, $0x2;
	v3 =	vsub.f32 v3, v1;
	v4 =	vsub.f32 v4, v0;
	_ =	sdelay $0x1  }
0x1c: {  	v5 =	vsub.f32 v5, v2;
	v4 =	vmul.f32 v4, v4;
	v3 =	vmul.f32 v3, v3;
	_ =	sdelay $0x1  }
0x1d: {  	v3 =	vadd.f32 v3, v4;
	v4 =	vmul.f32 v5, v5;
	_ =	sdelay $0x1  }
0x1e: {  	v3 =	vadd.f32 v4, v3;
	_ =	sdelay $0x1  }
0x1f: {  	v4 =	vshrl.u32 v3, $0x1;
	v5 =	vmul.f32 $5.000000000e-01, v3  }
0x20: {  	v4 =	vsub.s32 $0x5F3759DF, v4  }
0x21: {  	v6 =	vmul.f32 v4, v5;
	_ =	sdelay $0x1  }
0x22: {  	v6 =	vmul.f32 v4, v6;
	_ =	sdelay $0x1  }
0x23: {  	v6 =	vsub.f32 $1.500000000e+00, v6;
	_ =	sdelay $0x1  }
0x24: {  	v4 =	vmul.f32 v4, v6;
	_ =	sdelay $0x1  }
0x25: {  	v5 =	vmul.f32 v4, v5;
	_ =	sdelay $0x1  }
0x26: {  	v5 =	vmul.f32 v5, v4;
	_ =	sdelay $0x1  }
0x27: {  	v5 =	vsub.f32 $1.500000000e+00, v5;
	_ =	sdelay $0x1  }
0x28: {  	s24 =	simm.s32 $0x0;
	v4 =	vmul.f32 v5, v4  }
0x29: {  	s14 =	sand.u32 $0x3FFFFF00, s24  }
0x2a: {  	s14 =	sadd.s32 $0x4380, s14;
	v3 =	vmul.f32 v4, v3  }
0x2b: {  	s25 =	sor.u32 $0x10, s13;
	s16 =	sor.u32 s13, s14  }
0x2c: {  	s26 =	sor.u32 s25, s23;
	[tilespmem:s16+$0x0] =	vst v3  }
0x2d: {  	v3 =	vld [tilespmem:s26+$0x0]  }
0x2e: {  	v4 =	vld [tilespmem:s26+$0x80];
	_ =	sdelay $0x1  }
0x2f: {  	v5 =	vld [tilespmem:s26+$0x100];
	_ =	sdelay $0x2  }
0x30: {  	v3 =	vsub.f32 v3, v0;
	v4 =	vsub.f32 v4, v1;
	_ =	sdelay $0x1  }
0x31: {  	v5 =	vsub.f32 v5, v2;
	v3 =	vmul.f32 v3, v3;
	v4 =	vmul.f32 v4, v4;
	_ =	sdelay $0x1  }
0x32: {  	v3 =	vadd.f32 v4, v3;
	v4 =	vmul.f32 v5, v5;
	_ =	sdelay $0x1  }
0x33: {  	v3 =	vadd.f32 v4, v3;
	_ =	sdelay $0x1  }
0x34: {  	v4 =	vshrl.u32 v3, $0x1;
	v5 =	vmul.f32 $5.000000000e-01, v3  }
0x35: {  	v4 =	vsub.s32 $0x5F3759DF, v4  }
0x36: {  	v6 =	vmul.f32 v4, v5;
	_ =	sdelay $0x1  }
0x37: {  	v6 =	vmul.f32 v4, v6;
	_ =	sdelay $0x1  }
0x38: {  	v6 =	vsub.f32 $1.500000000e+00, v6;
	_ =	sdelay $0x1  }
0x39: {  	v4 =	vmul.f32 v4, v6;
	_ =	sdelay $0x1  }
0x3a: {  	v5 =	vmul.f32 v4, v5;
	_ =	sdelay $0x1  }
0x3b: {  	v5 =	vmul.f32 v5, v4;
	_ =	sdelay $0x1  }
0x3c: {  	v5 =	vsub.f32 $1.500000000e+00, v5;
	_ =	sdelay $0x1  }
0x3d: {  	v4 =	vmul.f32 v5, v4;
	_ =	sdelay $0x1  }
0x3e: {  	v3 =	vmul.f32 v4, v3  }
0x3f: {  	s28 =	sor.u32 $0x20, s13;
	s15 =	sor.u32 s25, s14  }
0x40: {  	s29 =	sor.u32 s28, s23;
	[tilespmem:s15+$0x0] =	vst v3  }
0x41: {  	v3 =	vld [tilespmem:s29+$0x0]  }
0x42: {  	v4 =	vld [tilespmem:s29+$0x80];
	_ =	sdelay $0x1  }
0x43: {  	v5 =	vld [tilespmem:s29+$0x100];
	_ =	sdelay $0x2  }
0x44: {  	v3 =	vsub.f32 v3, v0;
	v4 =	vsub.f32 v4, v1;
	_ =	sdelay $0x1  }
0x45: {  	v5 =	vsub.f32 v5, v2;
	v3 =	vmul.f32 v3, v3;
	v4 =	vmul.f32 v4, v4;
	_ =	sdelay $0x1  }
0x46: {  	v3 =	vadd.f32 v4, v3;
	v4 =	vmul.f32 v5, v5;
	_ =	sdelay $0x1  }
0x47: {  	v3 =	vadd.f32 v4, v3;
	_ =	sdelay $0x1  }
0x48: {  	v4 =	vshrl.u32 v3, $0x1;
	v5 =	vmul.f32 $5.000000000e-01, v3  }
0x49: {  	v4 =	vsub.s32 $0x5F3759DF, v4  }
0x4a: {  	v6 =	vmul.f32 v4, v5;
	_ =	sdelay $0x1  }
0x4b: {  	v6 =	vmul.f32 v4, v6;
	_ =	sdelay $0x1  }
0x4c: {  	v6 =	vsub.f32 $1.500000000e+00, v6;
	_ =	sdelay $0x1  }
0x4d: {  	v4 =	vmul.f32 v4, v6;
	_ =	sdelay $0x1  }
0x4e: {  	v5 =	vmul.f32 v4, v5;
	_ =	sdelay $0x1  }
0x4f: {  	v5 =	vmul.f32 v5, v4;
	_ =	sdelay $0x1  }
0x50: {  	v5 =	vsub.f32 $1.500000000e+00, v5;
	_ =	sdelay $0x1  }
0x51: {  	v4 =	vmul.f32 v5, v4;
	_ =	sdelay $0x1  }
0x52: {  	v3 =	vmul.f32 v4, v3  }
0x53: {  	s31 =	sor.u32 $0x30, s13;
	s30 =	sor.u32 s28, s14  }
0x54: {  	s12 =	sor.u32 s31, s23;
	[tilespmem:s30+$0x0] =	vst v3  }
0x55: {  	v3 =	vld [tilespmem:s12+$0x0]  }
0x56: {  	v4 =	vld [tilespmem:s12+$0x80];
	_ =	sdelay $0x1  }
0x57: {  	v5 =	vld [tilespmem:s12+$0x100];
	_ =	sdelay $0x2  }
0x58: {  	v3 =	vsub.f32 v3, v0;
	v4 =	vsub.f32 v4, v1;
	_ =	sdelay $0x1  }
0x59: {  	v5 =	vsub.f32 v5, v2;
	v3 =	vmul.f32 v3, v3;
	v4 =	vmul.f32 v4, v4;
	_ =	sdelay $0x1  }
0x5a: {  	v5 =	vmul.f32 v5, v5;
	v3 =	vadd.f32 v4, v3;
	_ =	sdelay $0x1  }
0x5b: {  	v3 =	vadd.f32 v5, v3;
	_ =	sdelay $0x1  }
0x5c: {  	v4 =	vshrl.u32 v3, $0x1;
	v5 =	vmul.f32 $5.000000000e-01, v3  }
0x5d: {  	v4 =	vsub.s32 $0x5F3759DF, v4  }
0x5e: {  	v6 =	vmul.f32 v4, v5;
	_ =	sdelay $0x1  }
0x5f: {  	v6 =	vmul.f32 v4, v6;
	_ =	sdelay $0x1  }
0x60: {  	v6 =	vsub.f32 $1.500000000e+00, v6;
	_ =	sdelay $0x1  }
0x61: {  	v4 =	vmul.f32 v4, v6;
	_ =	sdelay $0x1  }
0x62: {  	v5 =	vmul.f32 v4, v5;
	_ =	sdelay $0x1  }
0x63: {  	v5 =	vmul.f32 v5, v4;
	_ =	sdelay $0x1  }
0x64: {  	s13 =	simm.s32 $0x0;
	s12 =	sor.u32 s31, s14;
	v5 =	vsub.f32 $1.500000000e+00, v5  }
.LBB2_3:
0x65: {  	_ = 	snop  }
0x66: {  	s13 =	sadd.s32 $0x4, s13;
	s11 =	sadd.s32 $0x40, s11;
	v4 =	vmul.f32 v5, v4  }
0x67: {  	s14 =	sshll.u32 s13, $0x6;
	s15 =	sshll.u32 s13, $0x5;
	p0 =	slt.u32 s13, $0xFC  }
0x68: {  	s16 =	sand.u32 $0x40, s11;
	s14 =	sand.u32 $0x3FFFFE00, s14;
	s15 =	sand.u32 $0x3FFFFF00, s15;
	v3 =	vmul.f32 v4, v3  }
0x69: {  	s19 =	sor.u32 $0x10, s16;
	s21 =	sor.u32 s16, s14;
	s22 =	sadd.s32 $0x4380, s15  }
0x6a: {  	s18 =	sor.u32 $0x20, s16;
	s20 =	sor.u32 s16, s22;
	s17 =	sor.u32 s19, s22;
	[tilespmem:s12+$0x0] =	vst v3  }
0x6b: {  	s15 =	sor.u32 s18, s22;
	s16 =	sor.u32 $0x30, s16;
	v3 =	vld [tilespmem:s21+$0x80]  }
0x6c: {  	s12 =	sor.u32 s16, s22;
	v4 =	vld [tilespmem:s21+$0x0];
	_ =	sdelay $0x1  }
0x6d: {  	v5 =	vld [tilespmem:s21+$0x100];
	_ =	sdelay $0x1  }
0x6e: {  	v3 =	vsub.f32 v3, v1  }
0x6f: {  	v4 =	vsub.f32 v4, v0;
	_ =	sdelay $0x1  }
0x70: {  	v3 =	vmul.f32 v3, v3;
	v5 =	vsub.f32 v5, v2;
	v4 =	vmul.f32 v4, v4;
	_ =	sdelay $0x1  }
0x71: {  	v3 =	vadd.f32 v3, v4;
	v4 =	vmul.f32 v5, v5;
	_ =	sdelay $0x1  }
0x72: {  	v3 =	vadd.f32 v4, v3;
	_ =	sdelay $0x1  }
0x73: {  	v4 =	vshrl.u32 v3, $0x1;
	v5 =	vmul.f32 $5.000000000e-01, v3  }
0x74: {  	v4 =	vsub.s32 $0x5F3759DF, v4  }
0x75: {  	v6 =	vmul.f32 v4, v5;
	_ =	sdelay $0x1  }
0x76: {  	v6 =	vmul.f32 v4, v6;
	_ =	sdelay $0x1  }
0x77: {  	v6 =	vsub.f32 $1.500000000e+00, v6;
	_ =	sdelay $0x1  }
0x78: {  	v4 =	vmul.f32 v4, v6;
	_ =	sdelay $0x1  }
0x79: {  	v5 =	vmul.f32 v4, v5;
	_ =	sdelay $0x1  }
0x7a: {  	v5 =	vmul.f32 v5, v4;
	_ =	sdelay $0x1  }
0x7b: {  	v5 =	vsub.f32 $1.500000000e+00, v5;
	_ =	sdelay $0x1  }
0x7c: {  	v4 =	vmul.f32 v5, v4;
	_ =	sdelay $0x1  }
0x7d: {  	v3 =	vmul.f32 v4, v3;
	_ =	sdelay $0x1  }
0x7e: {  	s19 =	sor.u32 s19, s14;
	[tilespmem:s20+$0x0] =	vst v3  }
0x7f: {  	v3 =	vld [tilespmem:s19+$0x0]  }
0x80: {  	v4 =	vld [tilespmem:s19+$0x80];
	_ =	sdelay $0x1  }
0x81: {  	v5 =	vld [tilespmem:s19+$0x100];
	_ =	sdelay $0x1  }
0x82: {  	v3 =	vsub.f32 v3, v0  }
0x83: {  	v4 =	vsub.f32 v4, v1;
	_ =	sdelay $0x1  }
0x84: {  	v3 =	vmul.f32 v3, v3;
	v5 =	vsub.f32 v5, v2;
	v4 =	vmul.f32 v4, v4;
	_ =	sdelay $0x1  }
0x85: {  	v3 =	vadd.f32 v4, v3;
	v4 =	vmul.f32 v5, v5;
	_ =	sdelay $0x1  }
0x86: {  	v3 =	vadd.f32 v4, v3;
	_ =	sdelay $0x1  }
0x87: {  	v4 =	vshrl.u32 v3, $0x1;
	v5 =	vmul.f32 $5.000000000e-01, v3  }
0x88: {  	v4 =	vsub.s32 $0x5F3759DF, v4  }
0x89: {  	v6 =	vmul.f32 v4, v5;
	_ =	sdelay $0x1  }
0x8a: {  	v6 =	vmul.f32 v4, v6;
	_ =	sdelay $0x1  }
0x8b: {  	v6 =	vsub.f32 $1.500000000e+00, v6;
	_ =	sdelay $0x1  }
0x8c: {  	v4 =	vmul.f32 v4, v6;
	_ =	sdelay $0x1  }
0x8d: {  	v5 =	vmul.f32 v4, v5;
	_ =	sdelay $0x1  }
0x8e: {  	v5 =	vmul.f32 v5, v4;
	_ =	sdelay $0x1  }
0x8f: {  	v5 =	vsub.f32 $1.500000000e+00, v5;
	_ =	sdelay $0x1  }
0x90: {  	v4 =	vmul.f32 v5, v4;
	_ =	sdelay $0x1  }
0x91: {  	v3 =	vmul.f32 v4, v3;
	_ =	sdelay $0x1  }
0x92: {  	[tilespmem:s17+$0x0] =	vst v3;
	s17 =	sor.u32 s18, s14  }
0x93: {  	v3 =	vld [tilespmem:s17+$0x0]  }
0x94: {  	v4 =	vld [tilespmem:s17+$0x80];
	_ =	sdelay $0x1  }
0x95: {  	v5 =	vld [tilespmem:s17+$0x100];
	_ =	sdelay $0x1  }
0x96: {  	v3 =	vsub.f32 v3, v0  }
0x97: {  	v4 =	vsub.f32 v4, v1;
	_ =	sdelay $0x1  }
0x98: {  	v3 =	vmul.f32 v3, v3;
	v5 =	vsub.f32 v5, v2;
	v4 =	vmul.f32 v4, v4;
	_ =	sdelay $0x1  }
0x99: {  	v3 =	vadd.f32 v4, v3;
	v4 =	vmul.f32 v5, v5;
	_ =	sdelay $0x1  }
0x9a: {  	v3 =	vadd.f32 v4, v3;
	_ =	sdelay $0x1  }
0x9b: {  	v4 =	vshrl.u32 v3, $0x1;
	v5 =	vmul.f32 $5.000000000e-01, v3  }
0x9c: {  	v4 =	vsub.s32 $0x5F3759DF, v4  }
0x9d: {  	v6 =	vmul.f32 v4, v5;
	_ =	sdelay $0x1  }
0x9e: {  	v6 =	vmul.f32 v4, v6;
	_ =	sdelay $0x1  }
0x9f: {  	v6 =	vsub.f32 $1.500000000e+00, v6;
	_ =	sdelay $0x1  }
0xa0: {  	v4 =	vmul.f32 v4, v6;
	_ =	sdelay $0x1  }
0xa1: {  	v5 =	vmul.f32 v4, v5;
	_ =	sdelay $0x1  }
0xa2: {  	v5 =	vmul.f32 v5, v4;
	_ =	sdelay $0x1  }
0xa3: {  	v5 =	vsub.f32 $1.500000000e+00, v5;
	_ =	sdelay $0x1  }
0xa4: {  	v4 =	vmul.f32 v5, v4;
	_ =	sdelay $0x1  }
0xa5: {  	v3 =	vmul.f32 v4, v3;
	_ =	sdelay $0x1  }
0xa6: {  	s14 =	sor.u32 s16, s14;
	[tilespmem:s15+$0x0] =	vst v3  }
0xa7: {  	v3 =	vld [tilespmem:s14+$0x0]  }
0xa8: {  	v4 =	vld [tilespmem:s14+$0x80]  }
0xa9: {  	v5 =	vld [tilespmem:s14+$0x100];
	_ =	sdelay $0x2  }
0xaa: {  	v3 =	vsub.f32 v3, v0  }
0xab: {  	v4 =	vsub.f32 v4, v1  }
0xac: {  	v5 =	vsub.f32 v5, v2  }
0xad: {  	v3 =	vmul.f32 v3, v3;
	v4 =	vmul.f32 v4, v4  }
0xae: {  	v5 =	vmul.f32 v5, v5  }
0xaf: {  	v3 =	vadd.f32 v4, v3;
	_ =	sdelay $0x1  }
0xb0: {  	v3 =	vadd.f32 v5, v3;
	_ =	sdelay $0x1  }
0xb1: {  	v4 =	vshrl.u32 v3, $0x1;
	v5 =	vmul.f32 $5.000000000e-01, v3  }
0xb2: {  	v4 =	vsub.s32 $0x5F3759DF, v4  }
0xb3: {  	v6 =	vmul.f32 v4, v5;
	_ =	sdelay $0x1  }
0xb4: {  	v6 =	vmul.f32 v4, v6;
	_ =	sdelay $0x1  }
0xb5: {  	v6 =	vsub.f32 $1.500000000e+00, v6;
	_ =	sdelay $0x1  }
0xb6: {  	v4 =	vmul.f32 v4, v6;
	_ =	sdelay $0x1  }
.Ltmp0:
0xb7: {  	v5 =	vmul.f32 v4, v5;
	(pc) =	sbr.rel @p0 .LBB2_3-.Ltmp0, $3  }
0xb8: {  	_ = 	snop  }
0xb9: {  	v5 =	vmul.f32 v5, v4;
	_ =	sdelay $0x1  }
0xba: {  	v5 =	vsub.f32 $1.500000000e+00, v5  }
0xbb: {  	_ = 	snop  }
0xbc: {  	s11 =	sshll.u32 s10, $0x9;
	v0 =	vmul.f32 v5, v4  }
0xbd: {  	s13 =	sshll.u32 s10, $0x4;
	s11 =	sand.u32 $0x1F000, s11  }
0xbe: {  	s13 =	sand.u32 $0x70, s13;
	s11 =	sadd.s32 s11, s5;
	v0 =	vmul.f32 v0, v3  }
0xbf: {  	s14 =	simm.s32 $0x4480;
	s11 =	sadd.s32 s13, s11  }
0xc0: {  	s13 =	simm.s32 $0x4380;
	s15 =	sadd.s32 $0x0, s11;
	[tilespmem:s12+$0x0] =	vst v0;
	s12 =	simm.s32 $0x80  }
.LBB2_5:
0xc1: {  	[hbm4b:s15+s2] =	stream.linear.scatter [tilespmem:s13], [sflag:$0x1], $0x80, $0x38;
	[tilespmem:$0x6380] =	vst v63  }
0xc2: {  	s15 =	smov.u32 s12;
	s13 =	smov.u32 s14;
	p0 =	sne.s32 s12, $0xF80  }
.Ltmp1:
0xc3: {  	s12 =	sadd.s32 $0x80, s12;
	(pc) =	sbr.rel @p0 .LBB2_5-.Ltmp1, $2  }
0xc4: {  	_ =	sdelay $0x2  }
0xc5: {  	s14 =	sadd.s32 $0x100, s14;
	s15 =	sadd.s32 s15, s11  }
0xc6: {  	s10 =	sadd.s32 $0x1, s10  }
0xc7: {  	p0 =	sne.s32 s10, $0x100  }
.Ltmp2:
0xc8: {  	_ = 	snop;
	(pc) =	sbr.rel @p0 .LBB2_2-.Ltmp2, $4  }
0xc9: {  	[hbm4b:s15+s2] =	stream.linear.scatter [tilespmem:s13], [sflag:$0x1], $0x80, $0x38;
	[tilespmem:$0x6380] =	vst v63  }
0xca: {  	_ =	swait.ge [sflag:s7], $0x1000  }
0xcb: {  	[sflag:s7] =	ssyncset.done $0x0  }
0xcc: {  	[sflag:s7] =	ssyncadd.s32 $0xFFFFF000  }
0xcd: {  	s9 =	sadd.s32 $0x1, s9  }
0xce: {  	p0 =	sne.s32 s9, s6  }
.Ltmp3:
0xcf: {  	_ = 	snop;
	(pc) =	sbr.rel @p0 .LBB2_1-.Ltmp3, $1  }
0xd0: {  	_ =	sdelay $0x3  }
0xd1: {  	_ =	sfence.sel $0x180000  }
0xd2: {  	[bflag:$0x0] =	sbarrier.arrive $0xFFFF  }
0xd3: {  	p0 =	sne.s32 s1, $0x0;
	_ =	strace $0x90000047  }
0xd4: {  	s0 =	sadd.s32 @!p0 $0x100000, s0;
	[bflag:$0x2] =	sbarrier.arrive $0xFFFF  }
0xd5: {  	[sflag:s0] =	ssyncadd.tile.s32 @!p0 $0x1;
	_ =	shalt  }
.Lfunc_end2:
_tile_overlayer_lowered:
.L_overlay_start_2:
0xd6: {  	(tag) =	ssettag $0x2  }
0xd7: {  	s0 =	rddreg [dreg:$0x0];
	s2 =	stileid.u32  }
0xd8: {  	s1 =	rddreg [dreg:$0x1];
	p0 =	sne.s32 s2, $0x0  }
0xd9: {  	s3 =	rddreg [dreg:$0x2];
	[bflag:$0x3] =	sbarrier.arrive $0xFFFF;
	s2 =	simm.s32 @!p0 $0x1C01  }
0xda: {  	[timem:s3], [sflag:s2] =	dma.local @!p0 [hbm:s0], s1  }
0xdb: {  	s0 =	simm.s32 @!p0 $0x1  }
0xdc: {  	_ =	swait.ge @!p0 [sflag:s0], s1  }
0xdd: {  	s1 =	ssub.s32 @!p0 $0x0, s1;
	[sflag:s0] =	ssyncset.done @!p0 $0x0  }
0xde: {  	[sflag:s0] =	ssyncadd.s32 @!p0 s1  }
0xdf: {  	[bflag:$0x3] =	sbarrier.arrive $0xFFFF  }
0xe0: {  	_ =	shalt  }

</sc_bundles>
